<compile_context>
chip_gen: v7x
topology: tpu7x:2x2x1
jax: 0.10.2.dev20260603
libtpu: 0.0.44.dev20260713+nightly
codegen_flags: <defaults>
</compile_context>

<pallas_src>
import functools

import jax
import jax.numpy as jnp
from jax import lax
from jax.experimental import pallas as pl
from jax.experimental.pallas import tpu as pltpu
from jax.experimental.pallas import tpu_sc as plsc

_B, _L, _D = 16, 512, 256
_HALF = 128
_LANES = 16


def _sc_mean_body(enc_hbm, out_hbm, slab_v, acc_v):
    wid = lax.axis_index("s") * 2 + lax.axis_index("c")
    b = wid // 2
    doff = (wid % 2) * _HALF
    pltpu.sync_copy(enc_hbm.at[b, :, pl.ds(doff, _HALF)], slab_v)

    nvec = _HALF // _LANES

    def body(l, accs):
        return tuple(
            accs[j] + slab_v[l, pl.ds(j * _LANES, _LANES)] for j in range(nvec)
        )

    accs = lax.fori_loop(
        0, _L, body, tuple(jnp.zeros((_LANES,), jnp.float32) for _ in range(nvec))
    )
    for j in range(nvec):
        acc_v[pl.ds(j * _LANES, _LANES)] = accs[j] * (1.0 / _L)
    pltpu.sync_copy(acc_v, out_hbm.at[b, pl.ds(doff, _HALF)])


def kernel(user_id, event_type, enc_output, user_output, adjacent_matrix):
    B, L, D = enc_output.shape
    mesh = plsc.VectorSubcoreMesh(core_axis_name="c", subcore_axis_name="s")
    sc_mean = functools.partial(
        pl.kernel,
        mesh=mesh,
        out_type=jax.ShapeDtypeStruct((B, D), jnp.float32),
        scratch_types=[
            pltpu.VMEM((L, _HALF), jnp.float32),
            pltpu.VMEM((_HALF,), jnp.float32),
        ],
    )(_sc_mean_body)
    return sc_mean(enc_output)

# --- scband reference (transcript-rebuilt; emitter-appended) ---
"""Pipeline reference for scband-encoder-67525475827948 (READ-ONLY COPY).

The authoritative reference and input builder live on the scoring server;
editing this copy changes nothing except your own understanding.
"""

import jax, jax.numpy as jnp
import numpy as np

NUM_TYPES = 5000
D_MODEL = 256
B = 16
L = 512


def setup_inputs(seed: int = 0) -> dict:
    key = jax.random.key(seed)
    k1, k2, k3, k4, k5 = jax.random.split(key, 5)
    user_id = jax.random.randint(k1, (B,), 0, 10000, dtype=jnp.int64)
    event_type = jax.random.randint(k2, (B, L), 0, NUM_TYPES, dtype=jnp.int64)
    enc_output = jax.random.normal(k3, (B, L, D_MODEL), dtype=jnp.float32)
    user_output = jax.random.normal(k4, (B, D_MODEL), dtype=jnp.float32)
    adjacent_matrix = jax.random.normal(k5, (NUM_TYPES, NUM_TYPES), dtype=jnp.float32)
    return {
        "user_id": user_id,
        "event_type": event_type,
        "enc_output": enc_output,
        "user_output": user_output,
        "adjacent_matrix": adjacent_matrix,
    }


def _adj_one(e, adjacent_matrix):
    # indices = where(e > 0, e - 1, 0)
    indices = jnp.where(e > 0, e - 1, jnp.zeros_like(e))
    rows = jnp.take(adjacent_matrix, indices, axis=0)      # [L, T] gather rows
    adj_i = jnp.take(rows, indices, axis=1)                # [L, L] gather cols
    # if no valid (e > 0) entries, leave this batch slot as zeros (the 'continue')
    has_valid = jnp.sum((e > 0).astype(jnp.int32)) > 0
    return jnp.where(has_valid, adj_i, jnp.zeros_like(adj_i))


def reference(user_id, event_type, enc_output, user_output, adjacent_matrix):
    batch_size = user_id.shape[0]
    seq_len = event_type.shape[1]
    # adj construction: per-batch gather of adjacency sub-matrix (faithful to call())
    adj = jax.vmap(lambda e: _adj_one(e, adjacent_matrix))(event_type)  # [B, L, L]
    # adj is computed but the active forward returns the sequence mean of enc_output
    out = jnp.mean(enc_output, axis=1)  # [B, d_model]
    # keep adj materialized (same semantics as TF eager, which builds it fully)
    out = out + 0.0 * jnp.sum(adj) * 0.0
    return out

if __name__ == "__main__":
    import jax
    _d = setup_inputs()
    print(jax.jit(kernel)(*tuple(_d.values())))

</pallas_src>

<mosaic_0001>
#map = affine_map<(d0, d1) -> (0, 0, 0)>
#map1 = affine_map<(d0, d1) -> (0, 0)>
module attributes {stable_mosaic.version = 14 : i64} {
  func.func @_sc_mean_body(%arg0: i32, %arg1: i32, %arg2: memref<16x512x256xf32, #tpu.memory_space<hbm>>, %arg3: memref<16x256xf32, #tpu.memory_space<hbm>>, %arg4: memref<512x128xf32, #tpu.memory_space<vmem>>, %arg5: memref<128xf32, #tpu.memory_space<vmem>>) attributes {dimension_semantics = [#tpu.dimension_semantics<core_parallel>, #tpu.dimension_semantics<subcore_parallel>], iteration_bounds = array<i64: 2, 16>, scalar_prefetch = 0 : i64, scratch_operands = 2 : i64, tpu.core_type = #tpu.core_type<sc_vector_subcore>, window_params = [{transform_indices = #map}, {transform_indices = #map1}]} {
    %mul3A = arith.constant 2 : i32
    %mul3A_0 = arith.muli %arg1, %mul3A : i32
    %add3A = arith.addi %mul3A_0, %arg0 : i32
    %jit3A = arith.constant 2 : i32
    %div3A = arith.divsi %add3A, %jit3A : i32
    %sign3A = arith.constant 0 : i32
    %sign3A_1 = arith.cmpi sgt, %add3A, %sign3A : i32
    %sign3A_2 = arith.extui %sign3A_1 : i1 to i32
    %sign3A_3 = arith.constant 0 : i32
    %sign3A_4 = arith.cmpi slt, %add3A, %sign3A_3 : i32
    %sign3A_5 = arith.extui %sign3A_4 : i1 to i32
    %sign3A_6 = arith.subi %sign3A_2, %sign3A_5 : i32
    %sign3A_7 = arith.constant 0 : i32
    %sign3A_8 = arith.cmpi sgt, %jit3A, %sign3A_7 : i32
    %sign3A_9 = arith.extui %sign3A_8 : i1 to i32
    %sign3A_10 = arith.constant 0 : i32
    %sign3A_11 = arith.cmpi slt, %jit3A, %sign3A_10 : i32
    %sign3A_12 = arith.extui %sign3A_11 : i1 to i32
    %sign3A_13 = arith.subi %sign3A_9, %sign3A_12 : i32
    %ne3A = arith.cmpi ne, %sign3A_6, %sign3A_13 : i32
    %rem3A = arith.remsi %add3A, %jit3A : i32
    %ne3A_14 = arith.constant 0 : i32
    %ne3A_15 = arith.cmpi ne, %rem3A, %ne3A_14 : i32
    %and3A = arith.andi %ne3A, %ne3A_15 : i1
    %sub3A = arith.constant 1 : i32
    %sub3A_16 = arith.subi %div3A, %sub3A : i32
    %select_n3A = arith.select %and3A, %sub3A_16, %div3A : i32
    %jit3A_17 = arith.constant 2 : i32
    %eq3A = arith.constant 0 : i32
    %eq3A_18 = arith.cmpi eq, %jit3A_17, %eq3A : i32
    %jit3A_19 = arith.constant 1 : i32
    %select_n3A_20 = arith.select %eq3A_18, %jit3A_19, %jit3A_17 : i32
    %rem3A_21 = arith.remsi %add3A, %select_n3A_20 : i32
    %ne3A_22 = arith.constant 0 : i32
    %ne3A_23 = arith.cmpi ne, %rem3A_21, %ne3A_22 : i32
    %lt3A = arith.constant 0 : i32
    %lt3A_24 = arith.cmpi slt, %rem3A_21, %lt3A : i32
    %lt3A_25 = arith.constant 0 : i32
    %lt3A_26 = arith.cmpi slt, %select_n3A_20, %lt3A_25 : i32
    %ne3A_27 = arith.xori %lt3A_24, %lt3A_26 : i1
    %and3A_28 = arith.andi %ne3A_27, %ne3A_23 : i1
    %add3A_29 = arith.addi %rem3A_21, %select_n3A_20 : i32
    %select_n3A_30 = arith.select %and3A_28, %add3A_29, %rem3A_21 : i32
    %mul3A_31 = arith.constant 128 : i32
    %mul3A_32 = arith.muli %select_n3A_30, %mul3A_31 : i32
    "tpu.region"() ({
      %run_scoped3A = tpu.sem_alloc : memref<!tpu.dma_semaphore, #tpu.memory_space<semaphore_mem>>
      %dma_start3A = arith.constant 0 : i32
      %dma_start3A_108 = tpu.memref_slice %arg2[%select_n3A, %dma_start3A, %mul3A_32] : memref<16x512x256xf32, #tpu.memory_space<hbm>> -> memref<1x512x128xf32, #tpu.memory_space<hbm>>
      %dma_start3A_109 = tpu.memref_squeeze %dma_start3A_108 : memref<1x512x128xf32, #tpu.memory_space<hbm>> -> memref<512x128xf32, #tpu.memory_space<hbm>>
      %dma_start3A_110 = arith.constant 0 : i32
      %dma_start3A_111 = tpu.memref_slice %arg2[%select_n3A, %dma_start3A_110, %mul3A_32] : memref<16x512x256xf32, #tpu.memory_space<hbm>> -> memref<1x512x128xf32, #tpu.memory_space<hbm>>
      %dma_start3A_112 = tpu.memref_squeeze %dma_start3A_111 : memref<1x512x128xf32, #tpu.memory_space<hbm>> -> memref<512x128xf32, #tpu.memory_space<hbm>>
      tpu.enqueue_dma source(%dma_start3A_112 : memref<512x128xf32, #tpu.memory_space<hbm>>) target(%arg4 : memref<512x128xf32, #tpu.memory_space<vmem>>) target_semaphore(%run_scoped3A : memref<!tpu.dma_semaphore, #tpu.memory_space<semaphore_mem>>)
      %dma_wait3A = arith.constant 0 : i32
      %dma_wait3A_113 = tpu.memref_slice %arg2[%select_n3A, %dma_wait3A, %mul3A_32] : memref<16x512x256xf32, #tpu.memory_space<hbm>> -> memref<1x512x128xf32, #tpu.memory_space<hbm>>
      %dma_wait3A_114 = tpu.memref_squeeze %dma_wait3A_113 : memref<1x512x128xf32, #tpu.memory_space<hbm>> -> memref<512x128xf32, #tpu.memory_space<hbm>>
      %dma_wait3A_115 = arith.constant 0 : i32
      %dma_wait3A_116 = tpu.memref_slice %arg2[%select_n3A, %dma_wait3A_115, %mul3A_32] : memref<16x512x256xf32, #tpu.memory_space<hbm>> -> memref<1x512x128xf32, #tpu.memory_space<hbm>>
      %dma_wait3A_117 = tpu.memref_squeeze %dma_wait3A_116 : memref<1x512x128xf32, #tpu.memory_space<hbm>> -> memref<512x128xf32, #tpu.memory_space<hbm>>
      tpu.wait_dma2 semaphore(%run_scoped3A : memref<!tpu.dma_semaphore, #tpu.memory_space<semaphore_mem>>) src(%dma_wait3A_117 : memref<512x128xf32, #tpu.memory_space<hbm>>) dst(%arg4 : memref<512x128xf32, #tpu.memory_space<vmem>>)
      tpu.yield
    }) : () -> ()
    %broadcast_in_dim3A = arith.constant 0.000000e+00 : f32
    %broadcast_in_dim3A_33 = vector.broadcast %broadcast_in_dim3A : f32 to vector<16xf32>
    %broadcast_in_dim3A_34 = arith.constant 0.000000e+00 : f32
    %broadcast_in_dim3A_35 = vector.broadcast %broadcast_in_dim3A_34 : f32 to vector<16xf32>
    %broadcast_in_dim3A_36 = arith.constant 0.000000e+00 : f32
    %broadcast_in_dim3A_37 = vector.broadcast %broadcast_in_dim3A_36 : f32 to vector<16xf32>
    %broadcast_in_dim3A_38 = arith.constant 0.000000e+00 : f32
    %broadcast_in_dim3A_39 = vector.broadcast %broadcast_in_dim3A_38 : f32 to vector<16xf32>
    %broadcast_in_dim3A_40 = arith.constant 0.000000e+00 : f32
    %broadcast_in_dim3A_41 = vector.broadcast %broadcast_in_dim3A_40 : f32 to vector<16xf32>
    %broadcast_in_dim3A_42 = arith.constant 0.000000e+00 : f32
    %broadcast_in_dim3A_43 = vector.broadcast %broadcast_in_dim3A_42 : f32 to vector<16xf32>
    %broadcast_in_dim3A_44 = arith.constant 0.000000e+00 : f32
    %broadcast_in_dim3A_45 = vector.broadcast %broadcast_in_dim3A_44 : f32 to vector<16xf32>
    %broadcast_in_dim3A_46 = arith.constant 0.000000e+00 : f32
    %broadcast_in_dim3A_47 = vector.broadcast %broadcast_in_dim3A_46 : f32 to vector<16xf32>
    %scan3A = arith.constant 0 : i32
    %scan3A_48 = arith.constant 512 : i32
    %scan3A_49 = arith.addi %scan3A, %scan3A_48 : i32
    %scan3A_50 = arith.constant 1 : i32
    %scan3A_51:8 = scf.for %scan3A_108 = %scan3A to %scan3A_49 step %scan3A_50 iter_args(%scan3A_109 = %broadcast_in_dim3A_33, %scan3A_110 = %broadcast_in_dim3A_35, %scan3A_111 = %broadcast_in_dim3A_37, %scan3A_112 = %broadcast_in_dim3A_39, %scan3A_113 = %broadcast_in_dim3A_41, %scan3A_114 = %broadcast_in_dim3A_43, %scan3A_115 = %broadcast_in_dim3A_45, %scan3A_116 = %broadcast_in_dim3A_47) -> (vector<16xf32>, vector<16xf32>, vector<16xf32>, vector<16xf32>, vector<16xf32>, vector<16xf32>, vector<16xf32>, vector<16xf32>)  : i32 {
      %get3A = arith.index_cast %scan3A_108 : i32 to index
      %get3A_117 = arith.constant 0 : index
      %get3A_118 = tpu.vector_load %arg4[%get3A, %get3A_117] {strides = array<i32>} : memref<512x128xf32, #tpu.memory_space<vmem>>, vector<1x16xf32>,
      %get3A_119 = vector.shape_cast %get3A_118 : vector<1x16xf32> to vector<16xf32>
      %add3A_120 = arith.addf %scan3A_109, %get3A_119 : vector<16xf32>
      %get3A_121 = arith.index_cast %scan3A_108 : i32 to index
      %get3A_122 = arith.constant 16 : index
      %get3A_123 = tpu.vector_load %arg4[%get3A_121, %get3A_122] {strides = array<i32>} : memref<512x128xf32, #tpu.memory_space<vmem>>, vector<1x16xf32>,
      %get3A_124 = vector.shape_cast %get3A_123 : vector<1x16xf32> to vector<16xf32>
      %add3A_125 = arith.addf %scan3A_110, %get3A_124 : vector<16xf32>
      %get3A_126 = arith.index_cast %scan3A_108 : i32 to index
      %get3A_127 = arith.constant 32 : index
      %get3A_128 = tpu.vector_load %arg4[%get3A_126, %get3A_127] {strides = array<i32>} : memref<512x128xf32, #tpu.memory_space<vmem>>, vector<1x16xf32>,
      %get3A_129 = vector.shape_cast %get3A_128 : vector<1x16xf32> to vector<16xf32>
      %add3A_130 = arith.addf %scan3A_111, %get3A_129 : vector<16xf32>
      %get3A_131 = arith.index_cast %scan3A_108 : i32 to index
      %get3A_132 = arith.constant 48 : index
      %get3A_133 = tpu.vector_load %arg4[%get3A_131, %get3A_132] {strides = array<i32>} : memref<512x128xf32, #tpu.memory_space<vmem>>, vector<1x16xf32>,
      %get3A_134 = vector.shape_cast %get3A_133 : vector<1x16xf32> to vector<16xf32>
      %add3A_135 = arith.addf %scan3A_112, %get3A_134 : vector<16xf32>
      %get3A_136 = arith.index_cast %scan3A_108 : i32 to index
      %get3A_137 = arith.constant 64 : index
      %get3A_138 = tpu.vector_load %arg4[%get3A_136, %get3A_137] {strides = array<i32>} : memref<512x128xf32, #tpu.memory_space<vmem>>, vector<1x16xf32>,
      %get3A_139 = vector.shape_cast %get3A_138 : vector<1x16xf32> to vector<16xf32>
      %add3A_140 = arith.addf %scan3A_113, %get3A_139 : vector<16xf32>
      %get3A_141 = arith.index_cast %scan3A_108 : i32 to index
      %get3A_142 = arith.constant 80 : index
      %get3A_143 = tpu.vector_load %arg4[%get3A_141, %get3A_142] {strides = array<i32>} : memref<512x128xf32, #tpu.memory_space<vmem>>, vector<1x16xf32>,
      %get3A_144 = vector.shape_cast %get3A_143 : vector<1x16xf32> to vector<16xf32>
      %add3A_145 = arith.addf %scan3A_114, %get3A_144 : vector<16xf32>
      %get3A_146 = arith.index_cast %scan3A_108 : i32 to index
      %get3A_147 = arith.constant 96 : index
      %get3A_148 = tpu.vector_load %arg4[%get3A_146, %get3A_147] {strides = array<i32>} : memref<512x128xf32, #tpu.memory_space<vmem>>, vector<1x16xf32>,
      %get3A_149 = vector.shape_cast %get3A_148 : vector<1x16xf32> to vector<16xf32>
      %add3A_150 = arith.addf %scan3A_115, %get3A_149 : vector<16xf32>
      %get3A_151 = arith.index_cast %scan3A_108 : i32 to index
      %get3A_152 = arith.constant 112 : index
      %get3A_153 = tpu.vector_load %arg4[%get3A_151, %get3A_152] {strides = array<i32>} : memref<512x128xf32, #tpu.memory_space<vmem>>, vector<1x16xf32>,
      %get3A_154 = vector.shape_cast %get3A_153 : vector<1x16xf32> to vector<16xf32>
      %add3A_155 = arith.addf %scan3A_116, %get3A_154 : vector<16xf32>
      scf.yield %add3A_120, %add3A_125, %add3A_130, %add3A_135, %add3A_140, %add3A_145, %add3A_150, %add3A_155 : vector<16xf32>, vector<16xf32>, vector<16xf32>, vector<16xf32>, vector<16xf32>, vector<16xf32>, vector<16xf32>, vector<16xf32>
    }
    %scan3A_52 = arith.constant 512 : i32
    %mul3A_53 = arith.constant 0.001953125 : f32
    %mul3A_54 = vector.broadcast %mul3A_53 : f32 to vector<16xf32>
    %mul3A_55 = arith.mulf %scan3A_51#0, %mul3A_54 : vector<16xf32>
    %swap3A = arith.constant 0 : index
    %swap3A_56 = tpu.vector_load %arg5[%swap3A] {strides = array<i32>} : memref<128xf32, #tpu.memory_space<vmem>>, vector<16xf32>,
    %swap3A_57 = vector.shape_cast %swap3A_56 : vector<16xf32> to vector<16xf32>
    %swap3A_58 = vector.shape_cast %mul3A_55 : vector<16xf32> to vector<16xf32>
    tpu.vector_store %arg5[%swap3A], %swap3A_58 {strides = array<i32>} : memref<128xf32, #tpu.memory_space<vmem>>, vector<16xf32>,
    %mul3A_59 = arith.constant 0.001953125 : f32
    %mul3A_60 = vector.broadcast %mul3A_59 : f32 to vector<16xf32>
    %mul3A_61 = arith.mulf %scan3A_51#1, %mul3A_60 : vector<16xf32>
    %swap3A_62 = arith.constant 16 : index
    %swap3A_63 = tpu.vector_load %arg5[%swap3A_62] {strides = array<i32>} : memref<128xf32, #tpu.memory_space<vmem>>, vector<16xf32>,
    %swap3A_64 = vector.shape_cast %swap3A_63 : vector<16xf32> to vector<16xf32>
    %swap3A_65 = vector.shape_cast %mul3A_61 : vector<16xf32> to vector<16xf32>
    tpu.vector_store %arg5[%swap3A_62], %swap3A_65 {strides = array<i32>} : memref<128xf32, #tpu.memory_space<vmem>>, vector<16xf32>,
    %mul3A_66 = arith.constant 0.001953125 : f32
    %mul3A_67 = vector.broadcast %mul3A_66 : f32 to vector<16xf32>
    %mul3A_68 = arith.mulf %scan3A_51#2, %mul3A_67 : vector<16xf32>
    %swap3A_69 = arith.constant 32 : index
    %swap3A_70 = tpu.vector_load %arg5[%swap3A_69] {strides = array<i32>} : memref<128xf32, #tpu.memory_space<vmem>>, vector<16xf32>,
    %swap3A_71 = vector.shape_cast %swap3A_70 : vector<16xf32> to vector<16xf32>
    %swap3A_72 = vector.shape_cast %mul3A_68 : vector<16xf32> to vector<16xf32>
    tpu.vector_store %arg5[%swap3A_69], %swap3A_72 {strides = array<i32>} : memref<128xf32, #tpu.memory_space<vmem>>, vector<16xf32>,
    %mul3A_73 = arith.constant 0.001953125 : f32
    %mul3A_74 = vector.broadcast %mul3A_73 : f32 to vector<16xf32>
    %mul3A_75 = arith.mulf %scan3A_51#3, %mul3A_74 : vector<16xf32>
    %swap3A_76 = arith.constant 48 : index
    %swap3A_77 = tpu.vector_load %arg5[%swap3A_76] {strides = array<i32>} : memref<128xf32, #tpu.memory_space<vmem>>, vector<16xf32>,
    %swap3A_78 = vector.shape_cast %swap3A_77 : vector<16xf32> to vector<16xf32>
    %swap3A_79 = vector.shape_cast %mul3A_75 : vector<16xf32> to vector<16xf32>
    tpu.vector_store %arg5[%swap3A_76], %swap3A_79 {strides = array<i32>} : memref<128xf32, #tpu.memory_space<vmem>>, vector<16xf32>,
    %mul3A_80 = arith.constant 0.001953125 : f32
    %mul3A_81 = vector.broadcast %mul3A_80 : f32 to vector<16xf32>
    %mul3A_82 = arith.mulf %scan3A_51#4, %mul3A_81 : vector<16xf32>
    %swap3A_83 = arith.constant 64 : index
    %swap3A_84 = tpu.vector_load %arg5[%swap3A_83] {strides = array<i32>} : memref<128xf32, #tpu.memory_space<vmem>>, vector<16xf32>,
    %swap3A_85 = vector.shape_cast %swap3A_84 : vector<16xf32> to vector<16xf32>
    %swap3A_86 = vector.shape_cast %mul3A_82 : vector<16xf32> to vector<16xf32>
    tpu.vector_store %arg5[%swap3A_83], %swap3A_86 {strides = array<i32>} : memref<128xf32, #tpu.memory_space<vmem>>, vector<16xf32>,
    %mul3A_87 = arith.constant 0.001953125 : f32
    %mul3A_88 = vector.broadcast %mul3A_87 : f32 to vector<16xf32>
    %mul3A_89 = arith.mulf %scan3A_51#5, %mul3A_88 : vector<16xf32>
    %swap3A_90 = arith.constant 80 : index
    %swap3A_91 = tpu.vector_load %arg5[%swap3A_90] {strides = array<i32>} : memref<128xf32, #tpu.memory_space<vmem>>, vector<16xf32>,
    %swap3A_92 = vector.shape_cast %swap3A_91 : vector<16xf32> to vector<16xf32>
    %swap3A_93 = vector.shape_cast %mul3A_89 : vector<16xf32> to vector<16xf32>
    tpu.vector_store %arg5[%swap3A_90], %swap3A_93 {strides = array<i32>} : memref<128xf32, #tpu.memory_space<vmem>>, vector<16xf32>,
    %mul3A_94 = arith.constant 0.001953125 : f32
    %mul3A_95 = vector.broadcast %mul3A_94 : f32 to vector<16xf32>
    %mul3A_96 = arith.mulf %scan3A_51#6, %mul3A_95 : vector<16xf32>
    %swap3A_97 = arith.constant 96 : index
    %swap3A_98 = tpu.vector_load %arg5[%swap3A_97] {strides = array<i32>} : memref<128xf32, #tpu.memory_space<vmem>>, vector<16xf32>,
    %swap3A_99 = vector.shape_cast %swap3A_98 : vector<16xf32> to vector<16xf32>
    %swap3A_100 = vector.shape_cast %mul3A_96 : vector<16xf32> to vector<16xf32>
    tpu.vector_store %arg5[%swap3A_97], %swap3A_100 {strides = array<i32>} : memref<128xf32, #tpu.memory_space<vmem>>, vector<16xf32>,
    %mul3A_101 = arith.constant 0.001953125 : f32
    %mul3A_102 = vector.broadcast %mul3A_101 : f32 to vector<16xf32>
    %mul3A_103 = arith.mulf %scan3A_51#7, %mul3A_102 : vector<16xf32>
    %swap3A_104 = arith.constant 112 : index
    %swap3A_105 = tpu.vector_load %arg5[%swap3A_104] {strides = array<i32>} : memref<128xf32, #tpu.memory_space<vmem>>, vector<16xf32>,
    %swap3A_106 = vector.shape_cast %swap3A_105 : vector<16xf32> to vector<16xf32>
    %swap3A_107 = vector.shape_cast %mul3A_103 : vector<16xf32> to vector<16xf32>
    tpu.vector_store %arg5[%swap3A_104], %swap3A_107 {strides = array<i32>} : memref<128xf32, #tpu.memory_space<vmem>>, vector<16xf32>,
    "tpu.region"() ({
      %run_scoped3A = tpu.sem_alloc : memref<!tpu.dma_semaphore, #tpu.memory_space<semaphore_mem>>
      %dma_start3A = tpu.memref_slice %arg3[%select_n3A, %mul3A_32] : memref<16x256xf32, #tpu.memory_space<hbm>> -> memref<1x128xf32, #tpu.memory_space<hbm>>
      %dma_start3A_108 = tpu.memref_squeeze %dma_start3A : memref<1x128xf32, #tpu.memory_space<hbm>> -> memref<128xf32, #tpu.memory_space<hbm>>
      %dma_start3A_109 = tpu.memref_slice %arg3[%select_n3A, %mul3A_32] : memref<16x256xf32, #tpu.memory_space<hbm>> -> memref<1x128xf32, #tpu.memory_space<hbm>>
      %dma_start3A_110 = tpu.memref_squeeze %dma_start3A_109 : memref<1x128xf32, #tpu.memory_space<hbm>> -> memref<128xf32, #tpu.memory_space<hbm>>
      tpu.enqueue_dma source(%arg5 : memref<128xf32, #tpu.memory_space<vmem>>) target(%dma_start3A_110 : memref<128xf32, #tpu.memory_space<hbm>>) target_semaphore(%run_scoped3A : memref<!tpu.dma_semaphore, #tpu.memory_space<semaphore_mem>>)
      %dma_wait3A = tpu.memref_slice %arg3[%select_n3A, %mul3A_32] : memref<16x256xf32, #tpu.memory_space<hbm>> -> memref<1x128xf32, #tpu.memory_space<hbm>>
      %dma_wait3A_111 = tpu.memref_squeeze %dma_wait3A : memref<1x128xf32, #tpu.memory_space<hbm>> -> memref<128xf32, #tpu.memory_space<hbm>>
      %dma_wait3A_112 = tpu.memref_slice %arg3[%select_n3A, %mul3A_32] : memref<16x256xf32, #tpu.memory_space<hbm>> -> memref<1x128xf32, #tpu.memory_space<hbm>>
      %dma_wait3A_113 = tpu.memref_squeeze %dma_wait3A_112 : memref<1x128xf32, #tpu.memory_space<hbm>> -> memref<128xf32, #tpu.memory_space<hbm>>
      tpu.wait_dma2 semaphore(%run_scoped3A : memref<!tpu.dma_semaphore, #tpu.memory_space<semaphore_mem>>) src(%arg5 : memref<128xf32, #tpu.memory_space<vmem>>) dst(%dma_wait3A_113 : memref<128xf32, #tpu.memory_space<hbm>>)
      tpu.yield
    }) : () -> ()
    return
  }
}

</mosaic_0001>

<sc_bundles>
// kernel: kernel.3.cloned.1.call-start
scs
__scs_entry_jumppad:
0x0: {  	(pc) =	sbr.rel $0x88, $3  }
0x1: {  	(tag) =	ssettag $0x0;
	lr =	simm.s32 $0x1  }
0x2: {  	[smem:$0x3FA0] =	sst lr;
	_ =	strace $0xD0000000  }
0x3: {  	_ = 	snop  }
0x4: {  	_ = 	snop  }
0x5: {  	_ = 	snop  }
0x6: {  	_ = 	snop  }
0x7: {  	_ = 	snop  }
__scs_overlays_trampoline_lowered:
0x8: {  	[smem:$0x3FAF] =	sst s0  }
0x9: {  	[smem:$0x3FB0] =	sst s1  }
0xa: {  	[smem:$0x3FB1] =	sst s2  }
0xb: {  	[smem:$0x3FB2] =	sst s3  }
0xc: {  	[smem:$0x3FB3] =	sst s4  }
0xd: {  	[smem:$0x3FB4] =	sst s5  }
0xe: {  	[smem:$0x3FB5] =	sst s6  }
0xf: {  	[smem:$0x3FB6] =	sst s7  }
0x10: {  	[smem:$0x3FB7] =	sst s8  }
0x11: {  	[smem:$0x3FB8] =	sst s9;
	s0 =	simm.s32 @!p0 $0x0  }
0x12: {  	s1 =	sld [smem:$0x3F9E];
	s0 =	simm.s32 @p0 $0x1  }
0x13: {  	[smem:$0x3FB9] =	sst s0;
	s0 =	simm.s32 @!p1 $0x0  }
0x14: {  	s2 =	sld [smem:$0x3F9D];
	s0 =	simm.s32 @p1 $0x1  }
0x15: {  	[smem:$0x3FBA] =	sst s0;
	s0 =	simm.s32 @!p2 $0x0  }
0x16: {  	s3 =	sld [smem:$0x3FDB];
	s0 =	simm.s32 @p2 $0x1  }
0x17: {  	s4 =	simm.s32 $0x1BF5;
	[smem:$0x3FBC] =	sst s0  }
0x18: {  	s0 =	sld [smem:$0x3F9F];
	_ =	swait.ge [sflag:s4], $0x0  }
0x19: {  	s7 =	sld [smem:$0x3FA0]  }
0x1a: {  	s8 =	sadd.s32 $0xFFFFE003, lr  }
0x1b: {  	s9 =	sadd.s32 $0xFFFFFEF7, lr;
	s5 =	simm.s32 $0xFFFFFFFF;
	p2 =	slt.u32 s8, $0xFFFFF086  }
0x1c: {  	p1 =	slt.u32 s9, $0xF7A;
	s5 =	simm.s32 @!p2 $0x0  }
0x1d: {  	s5 =	simm.s32 @p1 $0x1;
	p0 =	seq.s32 s7, s2  }
0x1e: {  	s7 =	smul.u32 @!p0 $0xF7A, s2;
	p2 =	seq.s32 @!p0 s5, $0x0  }
0x1f: {  	s9 =	smul.u32 $0xF7A, s1;
	s8 =	simm.s32 @!p0 $0x1BF5;
	p2 =	por !p2, p0  }
0x20: {  	[sflag:s8] =	ssyncset.s32 @!p0 $0xFFFFF086;
	s6 =	sadd.s32 @!p0 s3, s7;
	s7 =	simm.s32 @!p0 $0x108  }
0x21: {  	s3 =	sadd.s32 s3, s9;
	s6 =	sadd.s32 @!p0 $0x88, s6;
	s7 =	simm.s32 @p2 $0x1082  }
0x22: {  	[simem:s7], [sflag:s8] =	dma.local @!p0 [hbm:s6], $0xF7A  }
0x23: {  	s9 =	sor.u32 $0xD0000000, s2;
	s6 =	simm.s32 $0x108;
	_ =	swait.ge @!p0 [sflag:s8], $0x0  }
0x24: {  	s3 =	sadd.s32 $0x88, s3;
	s6 =	simm.s32 @!p1 $0x1082;
	[sflag:s4] =	ssyncset.s32 $0xFFFFF086  }
0x25: {  	[simem:s6], [sflag:s4] =	dma.local [hbm:s3], $0xF7A  }
0x26: {  	[smem:$0x3FA0] =	sst s1;
	(tag) =	ssettag s2;
	_ =	strace s9  }
0x27: {  	s1 =	sld [smem:$0x3FB0]  }
0x28: {  	s2 =	sld [smem:$0x3FB1]  }
0x29: {  	s4 =	sld [smem:$0x3FB3]  }
0x2a: {  	p0 =	seq.s32 s5, $0x0;
	s5 =	sld [smem:$0x3FB4]  }
0x2b: {  	s6 =	sld [smem:$0x3FB5]  }
0x2c: {  	s7 =	sld [smem:$0x3FB6]  }
0x2d: {  	s3 =	simm.s32 $0x108;
	s8 =	sld [smem:$0x3FB7]  }
0x2e: {  	s3 =	simm.s32 @!p0 $0x1082;
	s9 =	sld [smem:$0x3FB8]  }
0x2f: {  	lr =	sadd.s32 s0, s3;
	s0 =	sld [smem:$0x3FAF]  }
0x30: {  	s3 =	sld [smem:$0x3FB2]  }
0x31: {  	[smem:$0x3FBB] =	sst s10  }
0x32: {  	s10 =	sld [smem:$0x3FB9];
	_ =	sdelay $0x3  }
0x33: {  	p0 =	seq.s32 s10, $0x1;
	s10 =	sld [smem:$0x3FBB];
	_ =	sdelay $0x3  }
0x34: {  	[smem:$0x3FBB] =	sst s10  }
0x35: {  	s10 =	sld [smem:$0x3FBA];
	_ =	sdelay $0x3  }
0x36: {  	p1 =	seq.s32 s10, $0x1;
	s10 =	sld [smem:$0x3FBB];
	_ =	sdelay $0x3  }
0x37: {  	[smem:$0x3FBB] =	sst s10  }
0x38: {  	s10 =	sld [smem:$0x3FBC]  }
0x39: {  	_ = 	snop;
	(pc) =	sbr.ind lr, $3  }
0x3a: {  	_ = 	snop  }
0x3b: {  	_ = 	snop  }
0x3c: {  	p2 =	seq.s32 s10, $0x1;
	s10 =	sld [smem:$0x3FBB]  }
0x3d: {  	_ =	shalt  }
0x3e: {  	_ =	shalt  }
0x3f: {  	_ =	shalt  }
0x40: {  	_ =	shalt  }
0x41: {  	_ =	shalt  }
0x42: {  	_ =	shalt  }
0x43: {  	_ =	shalt  }
0x44: {  	_ =	shalt  }
0x45: {  	_ =	shalt  }
0x46: {  	_ =	shalt  }
0x47: {  	_ =	shalt  }
0x48: {  	_ =	shalt  }
0x49: {  	_ =	shalt  }
0x4a: {  	_ =	shalt  }
0x4b: {  	_ =	shalt  }
0x4c: {  	_ =	shalt  }
0x4d: {  	_ =	shalt  }
0x4e: {  	_ =	shalt  }
0x4f: {  	_ =	shalt  }
0x50: {  	_ =	shalt  }
0x51: {  	_ =	shalt  }
0x52: {  	_ =	shalt  }
0x53: {  	_ =	shalt  }
0x54: {  	_ =	shalt  }
0x55: {  	_ =	shalt  }
0x56: {  	_ =	shalt  }
0x57: {  	_ =	shalt  }
0x58: {  	_ =	shalt  }
0x59: {  	_ =	shalt  }
0x5a: {  	_ =	shalt  }
0x5b: {  	_ =	shalt  }
0x5c: {  	_ =	shalt  }
0x5d: {  	_ =	shalt  }
0x5e: {  	_ =	shalt  }
0x5f: {  	_ =	shalt  }
0x60: {  	_ =	shalt  }
0x61: {  	_ =	shalt  }
0x62: {  	_ =	shalt  }
0x63: {  	_ =	shalt  }
0x64: {  	_ =	shalt  }
0x65: {  	_ =	shalt  }
0x66: {  	_ =	shalt  }
0x67: {  	_ =	shalt  }
0x68: {  	_ =	shalt  }
0x69: {  	_ =	shalt  }
0x6a: {  	_ =	shalt  }
0x6b: {  	_ =	shalt  }
0x6c: {  	_ =	shalt  }
0x6d: {  	_ =	shalt  }
0x6e: {  	_ =	shalt  }
0x6f: {  	_ =	shalt  }
0x70: {  	_ =	shalt  }
0x71: {  	_ =	shalt  }
0x72: {  	_ =	shalt  }
0x73: {  	_ =	shalt  }
0x74: {  	_ =	shalt  }
0x75: {  	_ =	shalt  }
0x76: {  	_ =	shalt  }
0x77: {  	_ =	shalt  }
0x78: {  	_ =	shalt  }
0x79: {  	_ =	shalt  }
0x7a: {  	_ =	shalt  }
0x7b: {  	_ =	shalt  }
0x7c: {  	_ =	shalt  }
0x7d: {  	_ =	shalt  }
0x7e: {  	_ =	shalt  }
0x7f: {  	_ =	shalt  }
0x80: {  	_ =	shalt  }
0x81: {  	_ =	shalt  }
0x82: {  	_ =	shalt  }
0x83: {  	_ =	shalt  }
0x84: {  	_ =	shalt  }
0x85: {  	_ =	shalt  }
0x86: {  	_ =	shalt  }
0x87: {  	_ =	shalt  }
.Lfunc_end0:
.L_simem_size_0:
called_computation_lowered:
.L_overlay_start_0:
0x88: {  	s2 =	sld [smem:$0x3FD9]  }
0x89: {  	s3 =	sld [smem:$0x3FFE];
	_ =	sdelay $0x1  }
0x8a: {  	s1 =	srdreg.scid  }
0x8b: {  	s0 =	sand.u32 $0x1, s1  }
0x8c: {  	s18 =	sshll.u32 s0, $0xA;
	s2 =	sadd.s32 s3, s2  }
0x8d: {  	s2 =	sadd.s32 s2, s18  }
0x8e: {  	[smem:$0x3FC7] =	sst s2  }
0x8f: {  	_ = 	snop  }
0x90: {  	s2 =	sld [smem:$0x3FC9]  }
0x91: {  	s19 =	sld [smem:$0x3FD0];
	(tm) =	ssettm $0x1  }
0x92: {  	s4 =	sld [smem:$0x3FFB];
	_ =	sdelay $0x3  }
0x93: {  	_ =	strace s4  }
0x94: {  	s4 =	sld [smem:$0x3FFC];
	_ =	sdelay $0x3  }
0x95: {  	_ =	strace s4  }
0x96: {  	s4 =	sld [smem:$0x3FFD];
	_ =	sdelay $0x3  }
0x97: {  	_ =	strace s4  }
0x98: {  	_ =	strace $0x8FFFFFFF  }
0x99: {  	s20 =	sld [smem:$0x3FDB];
	_ =	sdelay $0x1  }
0x9a: {  	s5 =	simm.s32 $_scs_section_size  }
0x9b: {  	s6 =	simm.s32 $_size__tile_overlayer_lowered;
	s7 =	simm.s32 $_tile_overlayer_lowered  }
0x9c: {  	s23 =	simm.s32 $0x1BFF;
	s22 =	sshll.u32 s7, $0x1;
	s4 =	sadd.s32 s5, s20  }
0x9d: {  	s8 =	simm.s32 $0x0;
	s21 =	sshll.u32 s6, $0x1;
	s6 =	sadd.s32 s22, s4  }
0x9e: {  	[timem:s8], [sflag:s23] =	dma.local [hbm:s6], s21  }
0x9f: {  	_ =	swait.ge [sflag:s23], s21  }
0xa0: {  	s5 =	ssub.s32 $0x0, s21;
	[sflag:s23] =	ssyncset.done $0x0  }
0xa1: {  	[sflag:s23] =	ssyncadd.s32 s5;
	_ =	sdelay $0x1  }
0xa2: {  	s24 =	simm.s32 $0x1B8B  }
0xa3: {  	_ =	swait.ge [sflag:s24], $0x1  }
0xa4: {  	[sflag:s24] =	ssyncset.done $0x0  }
0xa5: {  	s25 =	simm.s32 $0x1B8E;
	[sflag:s24] =	ssyncadd.s32 $0xFFFFFFFF  }
0xa6: {  	s26 =	simm.s32 $execute0_lowered;
	[smem:$0x3FD2] =	sst s25  }
0xa7: {  	s5 =	sshll.u32 s26, $0x1;
	_ =	strace $0x80000046;
	[dreg:$0x1] =	wrdreg $0xFFFFFFFF  }
0xa8: {  	s28 =	simm.s32 $_size_execute0_lowered;
	s4 =	sadd.s32 s4, s5;
	[dreg:$0x0] =	wrdreg $0x0  }
0xa9: {  	s5 =	sshll.u32 s28, $0x1;
	[dreg:$0x2] =	wrdreg s4  }
0xaa: {  	[dreg:$0x3] =	wrdreg s5  }
0xab: {  	[dreg:$0x4] =	wrdreg $0xC0  }
0xac: {  	_ =	task [dreg:s8], $0x5FFFF  }
0xad: {  	[dreg:$0x1] =	wrdreg $0xFFFFFFFF  }
0xae: {  	[dreg:$0x0] =	wrdreg $0x60  }
0xaf: {  	[dreg:$0x2] =	wrdreg s2  }
0xb0: {  	[dreg:$0x3] =	wrdreg s19  }
0xb1: {  	[dreg:$0x4] =	wrdreg $0x9  }
0xb2: {  	_ =	task.clear_ibuf [dreg:s8], $0x5FFFF;
	_ =	strace $0x90000046  }
0xb3: {  	s29 =	simm.s32 $0x9;
	_ =	strace $0x80000048  }
0xb4: {  	_ =	swait.ge [sflag:s29], $0x1  }
0xb5: {  	[sflag:s29] =	ssyncadd.s32 $0xFFFFFFFF  }
0xb6: {  	_ =	strace $0x90000048  }
0xb7: {  	_ =	sfence  }
0xb8: {  	s30 =	sld [smem:$0x0];
	_ =	sdelay $0x2  }
0xb9: {  	s31 =	sshll.u32 s1, $0xD;
	s1 =	sshrl.u32 s1, $0x2  }
0xba: {  	s3 =	sand.u32 $0x4000, s31;
	s1 =	sadd.s32 s1, s30  }
0xbb: {  	s0 =	sor.u32 s3, s0;
	s1 =	sshll.u32 s1, $0x11  }
0xbc: {  	s0 =	sor.u32 s1, s0  }
0xbd: {  	s0 =	sadd.s32 $0x8F2B, s0  }
0xbe: {  	[sflag:s0] =	ssyncadd.remote.s32 $0x1  }
0xbf: {  	_ =	sfence.sel $0xFFFF  }
0xc0: {  	[dreg:$0x0] =	wrdreg $0xFFFFFFFF;
	(pc) =	sbr.abs _section_cstart, $3  }
0xc1: {  	[dreg:$0x1] =	wrdreg $0xFFFFFFFF  }
0xc2: {  	_ =	task.clear_ibuf [dreg:s8], $0x2FFFF;
	_ =	strace $0x9FFFFFFF  }
0xc3: {  	(tm) =	ssettm $0x7FFFFFFF  }
tec
execute0_lowered:
.L_overlay_start_1:
0x0: {  	(tag) =	ssettag $0x1  }
0x1: {  	s1 =	srdreg.scid  }
0x2: {  	s0 =	stileid.u32;
	s4 =	rddreg [dreg:$0x0];
	s3 =	sand.u32 $0x1, s1  }
0x3: {  	s5 =	rddreg [dreg:$0x1];
	s2 =	simm.s32 $0x0;
	s1 =	sor.u32 s3, s0  }
0x4: {  	s6 =	simm.s32 $0x1;
	p1 =	seq.s32 s3, $0x1;
	p0 =	seq.s32 s1, $0x0  }
0x5: {  	s13 =	simm.s32 $0x0;
	[smem:$0x7FF] =	sst s2;
	p0 =	por !p0, !p1  }
0x6: {  	s7 =	ssub.s32 $0x2, s3;
	s3 =	sshll.u32 s3, $0xA;
	p0 =	por !p0, !p0  }
0x7: {  	s1 =	rddreg [dreg:$0x2];
	s10 =	sshrl.u32 s7, $0x1;
	s6 =	simm.s32 @!p0 $0x0  }
0x8: {  	_ =	strace $0x80000047;
	s7 =	ssub.s32 s7, s10;
	s6 =	ssub.s32 s0, s6  }
0x9: {  	s8 =	sshll.u32 s6, $0x8;
	s9 =	sshll.u32 s6, $0x7;
	s6 =	sshll.u32 s6, $0x11  }
0xa: {  	s8 =	sand.u32 $0xFFFFF800, s8;
	s9 =	sand.u32 $0x380, s9;
	s6 =	sor.u32 s3, s6  }
0xb: {  	s10 =	simm.s32 $0x0;
	s8 =	sor.u32 s8, s9;
	s6 =	sshrl.u32 s6, $0x3  }
0xc: {  	s9 =	simm.s32 $0x10000;
	s8 =	sor.u32 s3, s8;
	s3 =	simm.s32 $0x1  }
0xd: {  	s4 =	sadd.s32 s4, s6;
	s6 =	smax.u32 s7, $0x1;
	s31 =	sshrl.u32 s8, $0x3  }
0xe: {  	s7 =	simm.s32 $0x400;
	s8 =	simm.s32 $0x800;
	s5 =	sadd.s32 s5, s31  }
.LBB2_1:
0xf: {  	[tilespmem:s2], [sflag:$0x1] =	stream.strided.gather [hbm4b:s4+s7], $0x10000, s8, s7, $0x38;
	[tilespmem:$0x10080] =	vst v63  }
0x10: {  	_ =	swait.ge [sflag:s3], $0x10000  }
0x11: {  	[sflag:s3] =	ssyncset.done $0x0  }
0x12: {  	[sflag:s3] =	ssyncadd.s32 $0xFFFF0000  }
0x13: {  	v0 =	vld [tilespmem:s13+$0x70]  }
0x14: {  	v2 =	vld [tilespmem:s13+$0x0]  }
0x15: {  	v3 =	vld [tilespmem:s13+$0x10]  }
0x16: {  	v12 =	vld [tilespmem:s13+$0x20]  }
0x17: {  	v10 =	vld [tilespmem:s13+$0x30]  }
0x18: {  	v1 =	vimm.f32 $0.0e+00;
	v6 =	vimm.f32 $0.0e+00;
	v7 =	vld [tilespmem:s13+$0x40]  }
0x19: {  	v9 =	vimm.f32 $0.0e+00;
	v8 =	vld [tilespmem:s13+$0x50];
	v0 =	vadd.f32 v0, v1;
	v5 =	vadd.f32 v2, v1  }
0x1a: {  	s11 =	simm.s32 $0x80;
	s12 =	simm.s32 $0x400;
	v11 =	vld [tilespmem:s13+$0x60];
	v4 =	vadd.f32 v3, v1;
	v3 =	vimm.f32 $0.0e+00;
	v2 =	vimm.f32 $0.0e+00  }
.LBB2_2:
0x1b: {  	p0 =	sne.s32 s12, $0x3FE00;
	v13 =	vld [tilespmem:s11+$0x70];
	v1 =	vadd.f32 v12, v1  }
0x1c: {  	v14 =	vld [tilespmem:s11+$0x0];
	v6 =	vadd.f32 v10, v6  }
0x1d: {  	v15 =	vld [tilespmem:s11+$0x10];
	v9 =	vadd.f32 v7, v9  }
.Ltmp0:
0x1e: {  	v12 =	vld [tilespmem:s11+$0x20];
	v3 =	vadd.f32 v8, v3;
	(pc) =	sbr.rel @p0 .LBB2_2-.Ltmp0, $4  }
0x1f: {  	v10 =	vld [tilespmem:s11+$0x30];
	v2 =	vadd.f32 v11, v2  }
0x20: {  	v7 =	vld [tilespmem:s11+$0x40];
	v0 =	vadd.f32 v13, v0  }
0x21: {  	v5 =	vadd.f32 v14, v5;
	v8 =	vld [tilespmem:s11+$0x50]  }
0x22: {  	v4 =	vadd.f32 v15, v4;
	v11 =	vld [tilespmem:s11+$0x60];
	s11 =	sshra.s32 s12, $0x2;
	s12 =	sadd.s32 $0x200, s12  }
0x23: {  	v13 =	vld [tilespmem:s11+$0x0]  }
0x24: {  	v14 =	vld [tilespmem:s11+$0x10]  }
0x25: {  	v15 =	vld [tilespmem:s11+$0x20]  }
0x26: {  	v16 =	vld [tilespmem:s11+$0x30]  }
0x27: {  	v17 =	vld [tilespmem:s11+$0x40]  }
0x28: {  	v1 =	vadd.f32 v12, v1;
	v58 =	vld [tilespmem:s11+$0x50];
	v5 =	vadd.f32 v13, v5  }
0x29: {  	v60 =	vld [tilespmem:s11+$0x70];
	v6 =	vadd.f32 v10, v6;
	v4 =	vadd.f32 v14, v4  }
0x2a: {  	v59 =	vld [tilespmem:s11+$0x60];
	v7 =	vadd.f32 v7, v9;
	v1 =	vadd.f32 v15, v1;
	v5 =	vmul.f32 $1.953125000e-03, v5  }
0x2b: {  	v3 =	vadd.f32 v8, v3;
	v6 =	vadd.f32 v16, v6;
	v4 =	vmul.f32 $1.953125000e-03, v4  }
0x2c: {  	v7 =	vadd.f32 v17, v7;
	v1 =	vmul.f32 $1.953125000e-03, v1;
	[tilespmem:$0x10000] =	vst v5  }
0x2d: {  	v2 =	vadd.f32 v11, v2;
	v3 =	vadd.f32 v58, v3;
	v61 =	vmul.f32 $1.953125000e-03, v6;
	[tilespmem:$0x10010] =	vst v4  }
0x2e: {  	v0 =	vadd.f32 v60, v0;
	v62 =	vmul.f32 $1.953125000e-03, v7;
	[tilespmem:$0x10020] =	vst v1  }
0x2f: {  	v2 =	vadd.f32 v59, v2;
	v3 =	vmul.f32 $1.953125000e-03, v3;
	[tilespmem:$0x10030] =	vst v61  }
0x30: {  	v0 =	vmul.f32 $1.953125000e-03, v0;
	[tilespmem:$0x10040] =	vst v62  }
0x31: {  	s10 =	sadd.s32 $0x1, s10;
	v63 =	vmul.f32 $1.953125000e-03, v2;
	[tilespmem:$0x10050] =	vst v3  }
0x32: {  	p0 =	sne.s32 s10, s6;
	[tilespmem:$0x10070] =	vst v0  }
.Ltmp1:
0x33: {  	[tilespmem:$0x10060] =	vst v63;
	(pc) =	sbr.rel @p0 .LBB2_1-.Ltmp1, $4  }
0x34: {  	[hbm4b:s5+s2] =	stream.linear.scatter [tilespmem:s9], [sflag:$0x1], $0x80, $0x38;
	[tilespmem:$0x10080] =	vst v63  }
0x35: {  	_ =	swait.ge [sflag:s3], $0x80  }
0x36: {  	[sflag:s3] =	ssyncset.done $0x0  }
0x37: {  	[sflag:s3] =	ssyncadd.s32 $0xFFFFFF80  }
0x38: {  	_ =	sfence.sel $0x180000  }
0x39: {  	[bflag:$0x0] =	sbarrier.arrive $0xFFFF  }
0x3a: {  	p0 =	sne.s32 s0, $0x0;
	_ =	strace $0x90000047  }
0x3b: {  	s0 =	sadd.s32 @!p0 $0x100000, s1;
	[bflag:$0x2] =	sbarrier.arrive $0xFFFF  }
0x3c: {  	[sflag:s0] =	ssyncadd.tile.s32 @!p0 $0x1;
	_ =	shalt  }
.Lfunc_end2:
_tile_overlayer_lowered:
.L_overlay_start_2:
0x3d: {  	(tag) =	ssettag $0x2  }
0x3e: {  	s0 =	rddreg [dreg:$0x0];
	s2 =	stileid.u32  }
0x3f: {  	s1 =	rddreg [dreg:$0x1];
	p0 =	sne.s32 s2, $0x0  }
0x40: {  	s3 =	rddreg [dreg:$0x2];
	[bflag:$0x3] =	sbarrier.arrive $0xFFFF;
	s2 =	simm.s32 @!p0 $0x1C01  }
0x41: {  	[timem:s3], [sflag:s2] =	dma.local @!p0 [hbm:s0], s1  }
0x42: {  	s0 =	simm.s32 @!p0 $0x1  }
0x43: {  	_ =	swait.ge @!p0 [sflag:s0], s1  }
0x44: {  	s1 =	ssub.s32 @!p0 $0x0, s1;
	[sflag:s0] =	ssyncset.done @!p0 $0x0  }
0x45: {  	[sflag:s0] =	ssyncadd.s32 @!p0 s1  }
0x46: {  	[bflag:$0x3] =	sbarrier.arrive $0xFFFF  }
0x47: {  	_ =	shalt  }

</sc_bundles>
